<compile_context>
chip_gen: v7x
topology: tpu7x:2x2x1
jax: 0.10.2.dev20260603
libtpu: 0.0.44.dev20260713+nightly
codegen_flags: <defaults>
</compile_context>

<pallas_src>
import functools

import jax
import jax.numpy as jnp
from jax import lax
from jax.experimental import pallas as pl
from jax.experimental.pallas import tpu as pltpu
from jax.experimental.pallas import tpu_sc as plsc

VOCAB = 1000000
HIDDEN = 128
SEQ_LEN = 16384

_NC = 2
_NS = 16
_NW = _NC * _NS

_B_PER_W = SEQ_LEN // _NW
_CHUNK = 128
_NCHUNK = _B_PER_W // _CHUNK


def _make_gather():
    mesh = plsc.VectorSubcoreMesh(core_axis_name="c", subcore_axis_name="s")

    @functools.partial(
        pl.kernel,
        out_type=(
            jax.ShapeDtypeStruct((_NW, _NCHUNK, _CHUNK, HIDDEN), jnp.float32),
            jax.ShapeDtypeStruct((HIDDEN,), jnp.float32),
        ),
        mesh=mesh,
        scratch_types=[
            pltpu.VMEM((_NCHUNK, _CHUNK), jnp.int32),
            pltpu.VMEM((_NCHUNK, _CHUNK, HIDDEN), jnp.float32),
            pltpu.VMEM((HIDDEN,), jnp.float32),
            pltpu.SemaphoreType.DMA,
        ],
    )
    def gather_kernel(idx_hbm, table_hbm, out_hbm, hid_hbm, idx_v, rows_v,
                      zero_v, sem):
        wid = lax.axis_index("s") * _NC + lax.axis_index("c")
        pltpu.sync_copy(idx_hbm.at[wid], idx_v)
        gathers = [
            pltpu.async_copy(table_hbm.at[idx_v.at[j]], rows_v.at[j], sem)
            for j in range(_NCHUNK)
        ]
        for g in gathers:
            g.wait()
        @pl.when(wid == 0)
        def _():
            z = jnp.zeros((16,), jnp.float32)
            for i in range(HIDDEN // 16):
                zero_v[pl.ds(i * 16, 16)] = z
            pltpu.sync_copy(zero_v, hid_hbm)

        pltpu.sync_copy(rows_v, out_hbm.at[wid])

    return gather_kernel


_gather = _make_gather()


def kernel(word_inputs, hidden, embedding_weight):
    idx = word_inputs.astype(jnp.int32).reshape(_NW, _NCHUNK, _CHUNK)
    embedded, hid = _gather(idx, embedding_weight)
    return (
        embedded.reshape(SEQ_LEN, 1, HIDDEN),
        hid.reshape(1, 1, HIDDEN),
    )

# --- scband reference (transcript-rebuilt; emitter-appended) ---
"""Pipeline reference for scband-encoder-rnn-3590592659954 (READ-ONLY COPY).

The authoritative reference and input builder live on the scoring server;
editing this copy changes nothing except your own understanding.
"""

import jax, jax.numpy as jnp
import numpy as np

VOCAB = 1000000
HIDDEN = 128
N_LAYERS = 1
SEQ_LEN = 16384


def setup_inputs(seed: int = 0) -> dict:
    key = jax.random.key(seed)
    k1, k2 = jax.random.split(key, 2)
    word_inputs = jax.random.randint(k1, (SEQ_LEN,), 0, VOCAB, dtype=jnp.int64)
    hidden = jnp.zeros((N_LAYERS, 1, HIDDEN), dtype=jnp.float32)
    # learned parameter: embedding table, nn.Embedding default init N(0,1)
    embedding_weight = jax.random.normal(k2, (VOCAB, HIDDEN), dtype=jnp.float32)
    return {"word_inputs": word_inputs, "hidden": hidden, "embedding_weight": embedding_weight}


def reference(word_inputs, hidden, embedding_weight):
    # EncoderRNN.forward: embedding lookup, reshape to (seq_len, 1, -1),
    # return (embedded, zeros(n_layers, 1, hidden_size)). GRU is never applied.
    seq_len = word_inputs.shape[0]
    embedded = jnp.take(embedding_weight, word_inputs, axis=0).reshape(seq_len, 1, -1)
    new_hidden = jnp.zeros((N_LAYERS, 1, HIDDEN), dtype=jnp.float32)
    return (embedded, new_hidden)

if __name__ == "__main__":
    import jax
    _d = setup_inputs()
    print(jax.jit(kernel)(*tuple(_d.values())))

</pallas_src>

<mosaic_0001>
#map = affine_map<(d0, d1) -> (0, 0, 0)>
#map1 = affine_map<(d0, d1) -> (0, 0)>
#map2 = affine_map<(d0, d1) -> (0, 0, 0, 0)>
#map3 = affine_map<(d0, d1) -> (0)>
module attributes {stable_mosaic.version = 14 : i64} {
  func.func @gather_kernel(%arg0: i32, %arg1: i32, %arg2: memref<32x4x128xi32, #tpu.memory_space<hbm>>, %arg3: memref<1000000x128xf32, #tpu.memory_space<hbm>>, %arg4: memref<32x4x128x128xf32, #tpu.memory_space<hbm>>, %arg5: memref<128xf32, #tpu.memory_space<hbm>>, %arg6: memref<4x128xi32, #tpu.memory_space<vmem>>, %arg7: memref<4x128x128xf32, #tpu.memory_space<vmem>>, %arg8: memref<128xf32, #tpu.memory_space<vmem>>, %arg9: memref<!tpu.dma_semaphore, #tpu.memory_space<semaphore_mem>>) attributes {dimension_semantics = [#tpu.dimension_semantics<core_parallel>, #tpu.dimension_semantics<subcore_parallel>], iteration_bounds = array<i64: 2, 16>, scalar_prefetch = 0 : i64, scratch_operands = 4 : i64, tpu.core_type = #tpu.core_type<sc_vector_subcore>, window_params = [{transform_indices = #map}, {transform_indices = #map1}, {transform_indices = #map2}, {transform_indices = #map3}]} {
    %mul3A = arith.constant 2 : i32
    %mul3A_0 = arith.muli %arg1, %mul3A : i32
    %add3A = arith.addi %mul3A_0, %arg0 : i32
    "tpu.region"() ({
      %run_scoped3A = tpu.sem_alloc : memref<!tpu.dma_semaphore, #tpu.memory_space<semaphore_mem>>
      %dma_start3A_97 = arith.constant 0 : i32
      %dma_start3A_98 = arith.constant 0 : i32
      %dma_start3A_99 = tpu.memref_slice %arg2[%add3A, %dma_start3A_97, %dma_start3A_98] : memref<32x4x128xi32, #tpu.memory_space<hbm>> -> memref<1x4x128xi32, #tpu.memory_space<hbm>>
      %dma_start3A_100 = tpu.memref_squeeze %dma_start3A_99 : memref<1x4x128xi32, #tpu.memory_space<hbm>> -> memref<4x128xi32, #tpu.memory_space<hbm>>
      %dma_start3A_101 = arith.constant 0 : i32
      %dma_start3A_102 = arith.constant 0 : i32
      %dma_start3A_103 = tpu.memref_slice %arg2[%add3A, %dma_start3A_101, %dma_start3A_102] : memref<32x4x128xi32, #tpu.memory_space<hbm>> -> memref<1x4x128xi32, #tpu.memory_space<hbm>>
      %dma_start3A_104 = tpu.memref_squeeze %dma_start3A_103 : memref<1x4x128xi32, #tpu.memory_space<hbm>> -> memref<4x128xi32, #tpu.memory_space<hbm>>
      tpu.enqueue_dma source(%dma_start3A_104 : memref<4x128xi32, #tpu.memory_space<hbm>>) target(%arg6 : memref<4x128xi32, #tpu.memory_space<vmem>>) target_semaphore(%run_scoped3A : memref<!tpu.dma_semaphore, #tpu.memory_space<semaphore_mem>>)
      %dma_wait3A_105 = arith.constant 0 : i32
      %dma_wait3A_106 = arith.constant 0 : i32
      %dma_wait3A_107 = tpu.memref_slice %arg2[%add3A, %dma_wait3A_105, %dma_wait3A_106] : memref<32x4x128xi32, #tpu.memory_space<hbm>> -> memref<1x4x128xi32, #tpu.memory_space<hbm>>
      %dma_wait3A_108 = tpu.memref_squeeze %dma_wait3A_107 : memref<1x4x128xi32, #tpu.memory_space<hbm>> -> memref<4x128xi32, #tpu.memory_space<hbm>>
      %dma_wait3A_109 = arith.constant 0 : i32
      %dma_wait3A_110 = arith.constant 0 : i32
      %dma_wait3A_111 = tpu.memref_slice %arg2[%add3A, %dma_wait3A_109, %dma_wait3A_110] : memref<32x4x128xi32, #tpu.memory_space<hbm>> -> memref<1x4x128xi32, #tpu.memory_space<hbm>>
      %dma_wait3A_112 = tpu.memref_squeeze %dma_wait3A_111 : memref<1x4x128xi32, #tpu.memory_space<hbm>> -> memref<4x128xi32, #tpu.memory_space<hbm>>
      tpu.wait_dma2 semaphore(%run_scoped3A : memref<!tpu.dma_semaphore, #tpu.memory_space<semaphore_mem>>) src(%dma_wait3A_112 : memref<4x128xi32, #tpu.memory_space<hbm>>) dst(%arg6 : memref<4x128xi32, #tpu.memory_space<vmem>>)
      tpu.yield
    }) : () -> ()
    %dma_start3A = arith.constant 0 : i32
    %dma_start3A_1 = arith.constant 0 : i32
    %dma_start3A_2 = arith.constant 0 : i32
    %dma_start3A_3 = arith.constant 0 : i32
    %dma_start3A_4 = tpu.memref_slice %arg7[%dma_start3A_1, %dma_start3A_2, %dma_start3A_3] : memref<4x128x128xf32, #tpu.memory_space<vmem>> -> memref<1x128x128xf32, #tpu.memory_space<vmem>>
    %dma_start3A_5 = tpu.memref_squeeze %dma_start3A_4 : memref<1x128x128xf32, #tpu.memory_space<vmem>> -> memref<128x128xf32, #tpu.memory_space<vmem>>
    %dma_start3A_6 = arith.constant 0 : i32
    %dma_start3A_7 = tpu.memref_slice %arg6[%dma_start3A, %dma_start3A_6] : memref<4x128xi32, #tpu.memory_space<vmem>> -> memref<1x128xi32, #tpu.memory_space<vmem>>
    %dma_start3A_8 = tpu.memref_squeeze %dma_start3A_7 : memref<1x128xi32, #tpu.memory_space<vmem>> -> memref<128xi32, #tpu.memory_space<vmem>>
    %dma_start3A_9 = arith.constant 0 : i32
    %dma_start3A_10 = arith.constant 0 : i32
    %dma_start3A_11 = tpu.memref_slice %arg3[%dma_start3A_9, %dma_start3A_10] : memref<1000000x128xf32, #tpu.memory_space<hbm>> -> memref<1000000x128xf32, #tpu.memory_space<hbm>>
    tpu.enqueue_indirect_dma source(%dma_start3A_11 : memref<1000000x128xf32, #tpu.memory_space<hbm>>) target(%dma_start3A_5 : memref<128x128xf32, #tpu.memory_space<vmem>>) offsets(%dma_start3A_8 : memref<128xi32, #tpu.memory_space<vmem>>) semaphore(%arg9 : memref<!tpu.dma_semaphore, #tpu.memory_space<semaphore_mem>>)
    %dma_start3A_12 = arith.constant 1 : i32
    %dma_start3A_13 = arith.constant 1 : i32
    %dma_start3A_14 = arith.constant 0 : i32
    %dma_start3A_15 = arith.constant 0 : i32
    %dma_start3A_16 = tpu.memref_slice %arg7[%dma_start3A_13, %dma_start3A_14, %dma_start3A_15] : memref<4x128x128xf32, #tpu.memory_space<vmem>> -> memref<1x128x128xf32, #tpu.memory_space<vmem>>
    %dma_start3A_17 = tpu.memref_squeeze %dma_start3A_16 : memref<1x128x128xf32, #tpu.memory_space<vmem>> -> memref<128x128xf32, #tpu.memory_space<vmem>>
    %dma_start3A_18 = arith.constant 0 : i32
    %dma_start3A_19 = tpu.memref_slice %arg6[%dma_start3A_12, %dma_start3A_18] : memref<4x128xi32, #tpu.memory_space<vmem>> -> memref<1x128xi32, #tpu.memory_space<vmem>>
    %dma_start3A_20 = tpu.memref_squeeze %dma_start3A_19 : memref<1x128xi32, #tpu.memory_space<vmem>> -> memref<128xi32, #tpu.memory_space<vmem>>
    %dma_start3A_21 = arith.constant 0 : i32
    %dma_start3A_22 = arith.constant 0 : i32
    %dma_start3A_23 = tpu.memref_slice %arg3[%dma_start3A_21, %dma_start3A_22] : memref<1000000x128xf32, #tpu.memory_space<hbm>> -> memref<1000000x128xf32, #tpu.memory_space<hbm>>
    tpu.enqueue_indirect_dma source(%dma_start3A_23 : memref<1000000x128xf32, #tpu.memory_space<hbm>>) target(%dma_start3A_17 : memref<128x128xf32, #tpu.memory_space<vmem>>) offsets(%dma_start3A_20 : memref<128xi32, #tpu.memory_space<vmem>>) semaphore(%arg9 : memref<!tpu.dma_semaphore, #tpu.memory_space<semaphore_mem>>)
    %dma_start3A_24 = arith.constant 2 : i32
    %dma_start3A_25 = arith.constant 2 : i32
    %dma_start3A_26 = arith.constant 0 : i32
    %dma_start3A_27 = arith.constant 0 : i32
    %dma_start3A_28 = tpu.memref_slice %arg7[%dma_start3A_25, %dma_start3A_26, %dma_start3A_27] : memref<4x128x128xf32, #tpu.memory_space<vmem>> -> memref<1x128x128xf32, #tpu.memory_space<vmem>>
    %dma_start3A_29 = tpu.memref_squeeze %dma_start3A_28 : memref<1x128x128xf32, #tpu.memory_space<vmem>> -> memref<128x128xf32, #tpu.memory_space<vmem>>
    %dma_start3A_30 = arith.constant 0 : i32
    %dma_start3A_31 = tpu.memref_slice %arg6[%dma_start3A_24, %dma_start3A_30] : memref<4x128xi32, #tpu.memory_space<vmem>> -> memref<1x128xi32, #tpu.memory_space<vmem>>
    %dma_start3A_32 = tpu.memref_squeeze %dma_start3A_31 : memref<1x128xi32, #tpu.memory_space<vmem>> -> memref<128xi32, #tpu.memory_space<vmem>>
    %dma_start3A_33 = arith.constant 0 : i32
    %dma_start3A_34 = arith.constant 0 : i32
    %dma_start3A_35 = tpu.memref_slice %arg3[%dma_start3A_33, %dma_start3A_34] : memref<1000000x128xf32, #tpu.memory_space<hbm>> -> memref<1000000x128xf32, #tpu.memory_space<hbm>>
    tpu.enqueue_indirect_dma source(%dma_start3A_35 : memref<1000000x128xf32, #tpu.memory_space<hbm>>) target(%dma_start3A_29 : memref<128x128xf32, #tpu.memory_space<vmem>>) offsets(%dma_start3A_32 : memref<128xi32, #tpu.memory_space<vmem>>) semaphore(%arg9 : memref<!tpu.dma_semaphore, #tpu.memory_space<semaphore_mem>>)
    %dma_start3A_36 = arith.constant 3 : i32
    %dma_start3A_37 = arith.constant 3 : i32
    %dma_start3A_38 = arith.constant 0 : i32
    %dma_start3A_39 = arith.constant 0 : i32
    %dma_start3A_40 = tpu.memref_slice %arg7[%dma_start3A_37, %dma_start3A_38, %dma_start3A_39] : memref<4x128x128xf32, #tpu.memory_space<vmem>> -> memref<1x128x128xf32, #tpu.memory_space<vmem>>
    %dma_start3A_41 = tpu.memref_squeeze %dma_start3A_40 : memref<1x128x128xf32, #tpu.memory_space<vmem>> -> memref<128x128xf32, #tpu.memory_space<vmem>>
    %dma_start3A_42 = arith.constant 0 : i32
    %dma_start3A_43 = tpu.memref_slice %arg6[%dma_start3A_36, %dma_start3A_42] : memref<4x128xi32, #tpu.memory_space<vmem>> -> memref<1x128xi32, #tpu.memory_space<vmem>>
    %dma_start3A_44 = tpu.memref_squeeze %dma_start3A_43 : memref<1x128xi32, #tpu.memory_space<vmem>> -> memref<128xi32, #tpu.memory_space<vmem>>
    %dma_start3A_45 = arith.constant 0 : i32
    %dma_start3A_46 = arith.constant 0 : i32
    %dma_start3A_47 = tpu.memref_slice %arg3[%dma_start3A_45, %dma_start3A_46] : memref<1000000x128xf32, #tpu.memory_space<hbm>> -> memref<1000000x128xf32, #tpu.memory_space<hbm>>
    tpu.enqueue_indirect_dma source(%dma_start3A_47 : memref<1000000x128xf32, #tpu.memory_space<hbm>>) target(%dma_start3A_41 : memref<128x128xf32, #tpu.memory_space<vmem>>) offsets(%dma_start3A_44 : memref<128xi32, #tpu.memory_space<vmem>>) semaphore(%arg9 : memref<!tpu.dma_semaphore, #tpu.memory_space<semaphore_mem>>)
    %dma_wait3A = arith.constant 0 : i32
    %dma_wait3A_48 = arith.constant 0 : i32
    %dma_wait3A_49 = arith.constant 0 : i32
    %dma_wait3A_50 = arith.constant 0 : i32
    %dma_wait3A_51 = tpu.memref_slice %arg7[%dma_wait3A_48, %dma_wait3A_49, %dma_wait3A_50] : memref<4x128x128xf32, #tpu.memory_space<vmem>> -> memref<1x128x128xf32, #tpu.memory_space<vmem>>
    %dma_wait3A_52 = tpu.memref_squeeze %dma_wait3A_51 : memref<1x128x128xf32, #tpu.memory_space<vmem>> -> memref<128x128xf32, #tpu.memory_space<vmem>>
    %dma_wait3A_53 = arith.constant 0 : i32
    %dma_wait3A_54 = tpu.memref_slice %arg6[%dma_wait3A, %dma_wait3A_53] : memref<4x128xi32, #tpu.memory_space<vmem>> -> memref<1x128xi32, #tpu.memory_space<vmem>>
    %dma_wait3A_55 = tpu.memref_squeeze %dma_wait3A_54 : memref<1x128xi32, #tpu.memory_space<vmem>> -> memref<128xi32, #tpu.memory_space<vmem>>
    %dma_wait3A_56 = arith.constant 0 : i32
    %dma_wait3A_57 = arith.constant 0 : i32
    %dma_wait3A_58 = tpu.memref_slice %arg3[%dma_wait3A_56, %dma_wait3A_57] : memref<1000000x128xf32, #tpu.memory_space<hbm>> -> memref<1000000x128xf32, #tpu.memory_space<hbm>>
    tpu.wait_indirect_dma semaphore(%arg9 : memref<!tpu.dma_semaphore, #tpu.memory_space<semaphore_mem>>) src(%dma_wait3A_58 : memref<1000000x128xf32, #tpu.memory_space<hbm>>) dst(%dma_wait3A_52 : memref<128x128xf32, #tpu.memory_space<vmem>>)
    %dma_wait3A_59 = arith.constant 1 : i32
    %dma_wait3A_60 = arith.constant 1 : i32
    %dma_wait3A_61 = arith.constant 0 : i32
    %dma_wait3A_62 = arith.constant 0 : i32
    %dma_wait3A_63 = tpu.memref_slice %arg7[%dma_wait3A_60, %dma_wait3A_61, %dma_wait3A_62] : memref<4x128x128xf32, #tpu.memory_space<vmem>> -> memref<1x128x128xf32, #tpu.memory_space<vmem>>
    %dma_wait3A_64 = tpu.memref_squeeze %dma_wait3A_63 : memref<1x128x128xf32, #tpu.memory_space<vmem>> -> memref<128x128xf32, #tpu.memory_space<vmem>>
    %dma_wait3A_65 = arith.constant 0 : i32
    %dma_wait3A_66 = tpu.memref_slice %arg6[%dma_wait3A_59, %dma_wait3A_65] : memref<4x128xi32, #tpu.memory_space<vmem>> -> memref<1x128xi32, #tpu.memory_space<vmem>>
    %dma_wait3A_67 = tpu.memref_squeeze %dma_wait3A_66 : memref<1x128xi32, #tpu.memory_space<vmem>> -> memref<128xi32, #tpu.memory_space<vmem>>
    %dma_wait3A_68 = arith.constant 0 : i32
    %dma_wait3A_69 = arith.constant 0 : i32
    %dma_wait3A_70 = tpu.memref_slice %arg3[%dma_wait3A_68, %dma_wait3A_69] : memref<1000000x128xf32, #tpu.memory_space<hbm>> -> memref<1000000x128xf32, #tpu.memory_space<hbm>>
    tpu.wait_indirect_dma semaphore(%arg9 : memref<!tpu.dma_semaphore, #tpu.memory_space<semaphore_mem>>) src(%dma_wait3A_70 : memref<1000000x128xf32, #tpu.memory_space<hbm>>) dst(%dma_wait3A_64 : memref<128x128xf32, #tpu.memory_space<vmem>>)
    %dma_wait3A_71 = arith.constant 2 : i32
    %dma_wait3A_72 = arith.constant 2 : i32
    %dma_wait3A_73 = arith.constant 0 : i32
    %dma_wait3A_74 = arith.constant 0 : i32
    %dma_wait3A_75 = tpu.memref_slice %arg7[%dma_wait3A_72, %dma_wait3A_73, %dma_wait3A_74] : memref<4x128x128xf32, #tpu.memory_space<vmem>> -> memref<1x128x128xf32, #tpu.memory_space<vmem>>
    %dma_wait3A_76 = tpu.memref_squeeze %dma_wait3A_75 : memref<1x128x128xf32, #tpu.memory_space<vmem>> -> memref<128x128xf32, #tpu.memory_space<vmem>>
    %dma_wait3A_77 = arith.constant 0 : i32
    %dma_wait3A_78 = tpu.memref_slice %arg6[%dma_wait3A_71, %dma_wait3A_77] : memref<4x128xi32, #tpu.memory_space<vmem>> -> memref<1x128xi32, #tpu.memory_space<vmem>>
    %dma_wait3A_79 = tpu.memref_squeeze %dma_wait3A_78 : memref<1x128xi32, #tpu.memory_space<vmem>> -> memref<128xi32, #tpu.memory_space<vmem>>
    %dma_wait3A_80 = arith.constant 0 : i32
    %dma_wait3A_81 = arith.constant 0 : i32
    %dma_wait3A_82 = tpu.memref_slice %arg3[%dma_wait3A_80, %dma_wait3A_81] : memref<1000000x128xf32, #tpu.memory_space<hbm>> -> memref<1000000x128xf32, #tpu.memory_space<hbm>>
    tpu.wait_indirect_dma semaphore(%arg9 : memref<!tpu.dma_semaphore, #tpu.memory_space<semaphore_mem>>) src(%dma_wait3A_82 : memref<1000000x128xf32, #tpu.memory_space<hbm>>) dst(%dma_wait3A_76 : memref<128x128xf32, #tpu.memory_space<vmem>>)
    %dma_wait3A_83 = arith.constant 3 : i32
    %dma_wait3A_84 = arith.constant 3 : i32
    %dma_wait3A_85 = arith.constant 0 : i32
    %dma_wait3A_86 = arith.constant 0 : i32
    %dma_wait3A_87 = tpu.memref_slice %arg7[%dma_wait3A_84, %dma_wait3A_85, %dma_wait3A_86] : memref<4x128x128xf32, #tpu.memory_space<vmem>> -> memref<1x128x128xf32, #tpu.memory_space<vmem>>
    %dma_wait3A_88 = tpu.memref_squeeze %dma_wait3A_87 : memref<1x128x128xf32, #tpu.memory_space<vmem>> -> memref<128x128xf32, #tpu.memory_space<vmem>>
    %dma_wait3A_89 = arith.constant 0 : i32
    %dma_wait3A_90 = tpu.memref_slice %arg6[%dma_wait3A_83, %dma_wait3A_89] : memref<4x128xi32, #tpu.memory_space<vmem>> -> memref<1x128xi32, #tpu.memory_space<vmem>>
    %dma_wait3A_91 = tpu.memref_squeeze %dma_wait3A_90 : memref<1x128xi32, #tpu.memory_space<vmem>> -> memref<128xi32, #tpu.memory_space<vmem>>
    %dma_wait3A_92 = arith.constant 0 : i32
    %dma_wait3A_93 = arith.constant 0 : i32
    %dma_wait3A_94 = tpu.memref_slice %arg3[%dma_wait3A_92, %dma_wait3A_93] : memref<1000000x128xf32, #tpu.memory_space<hbm>> -> memref<1000000x128xf32, #tpu.memory_space<hbm>>
    tpu.wait_indirect_dma semaphore(%arg9 : memref<!tpu.dma_semaphore, #tpu.memory_space<semaphore_mem>>) src(%dma_wait3A_94 : memref<1000000x128xf32, #tpu.memory_space<hbm>>) dst(%dma_wait3A_88 : memref<128x128xf32, #tpu.memory_space<vmem>>)
    %eq3A = arith.constant 0 : i32
    %eq3A_95 = arith.cmpi eq, %add3A, %eq3A : i32
    %convert_element_type3A = arith.extui %eq3A_95 : i1 to i32
    %cond3A = arith.constant 0 : i32
    %cond3A_96 = arith.cmpi ne, %convert_element_type3A, %cond3A : i32
    scf.if %cond3A_96 {
      %broadcast_in_dim3A = arith.constant 0.000000e+00 : f32
      %broadcast_in_dim3A_97 = vector.broadcast %broadcast_in_dim3A : f32 to vector<16xf32>
      %swap3A = arith.constant 0 : index
      %swap3A_98 = tpu.vector_load %arg8[%swap3A] {strides = array<i32>} : memref<128xf32, #tpu.memory_space<vmem>>, vector<16xf32>,
      %swap3A_99 = vector.shape_cast %swap3A_98 : vector<16xf32> to vector<16xf32>
      %swap3A_100 = vector.shape_cast %broadcast_in_dim3A_97 : vector<16xf32> to vector<16xf32>
      tpu.vector_store %arg8[%swap3A], %swap3A_100 {strides = array<i32>} : memref<128xf32, #tpu.memory_space<vmem>>, vector<16xf32>,
      %swap3A_101 = arith.constant 16 : index
      %swap3A_102 = tpu.vector_load %arg8[%swap3A_101] {strides = array<i32>} : memref<128xf32, #tpu.memory_space<vmem>>, vector<16xf32>,
      %swap3A_103 = vector.shape_cast %swap3A_102 : vector<16xf32> to vector<16xf32>
      %swap3A_104 = vector.shape_cast %broadcast_in_dim3A_97 : vector<16xf32> to vector<16xf32>
      tpu.vector_store %arg8[%swap3A_101], %swap3A_104 {strides = array<i32>} : memref<128xf32, #tpu.memory_space<vmem>>, vector<16xf32>,
      %swap3A_105 = arith.constant 32 : index
      %swap3A_106 = tpu.vector_load %arg8[%swap3A_105] {strides = array<i32>} : memref<128xf32, #tpu.memory_space<vmem>>, vector<16xf32>,
      %swap3A_107 = vector.shape_cast %swap3A_106 : vector<16xf32> to vector<16xf32>
      %swap3A_108 = vector.shape_cast %broadcast_in_dim3A_97 : vector<16xf32> to vector<16xf32>
      tpu.vector_store %arg8[%swap3A_105], %swap3A_108 {strides = array<i32>} : memref<128xf32, #tpu.memory_space<vmem>>, vector<16xf32>,
      %swap3A_109 = arith.constant 48 : index
      %swap3A_110 = tpu.vector_load %arg8[%swap3A_109] {strides = array<i32>} : memref<128xf32, #tpu.memory_space<vmem>>, vector<16xf32>,
      %swap3A_111 = vector.shape_cast %swap3A_110 : vector<16xf32> to vector<16xf32>
      %swap3A_112 = vector.shape_cast %broadcast_in_dim3A_97 : vector<16xf32> to vector<16xf32>
      tpu.vector_store %arg8[%swap3A_109], %swap3A_112 {strides = array<i32>} : memref<128xf32, #tpu.memory_space<vmem>>, vector<16xf32>,
      %swap3A_113 = arith.constant 64 : index
      %swap3A_114 = tpu.vector_load %arg8[%swap3A_113] {strides = array<i32>} : memref<128xf32, #tpu.memory_space<vmem>>, vector<16xf32>,
      %swap3A_115 = vector.shape_cast %swap3A_114 : vector<16xf32> to vector<16xf32>
      %swap3A_116 = vector.shape_cast %broadcast_in_dim3A_97 : vector<16xf32> to vector<16xf32>
      tpu.vector_store %arg8[%swap3A_113], %swap3A_116 {strides = array<i32>} : memref<128xf32, #tpu.memory_space<vmem>>, vector<16xf32>,
      %swap3A_117 = arith.constant 80 : index
      %swap3A_118 = tpu.vector_load %arg8[%swap3A_117] {strides = array<i32>} : memref<128xf32, #tpu.memory_space<vmem>>, vector<16xf32>,
      %swap3A_119 = vector.shape_cast %swap3A_118 : vector<16xf32> to vector<16xf32>
      %swap3A_120 = vector.shape_cast %broadcast_in_dim3A_97 : vector<16xf32> to vector<16xf32>
      tpu.vector_store %arg8[%swap3A_117], %swap3A_120 {strides = array<i32>} : memref<128xf32, #tpu.memory_space<vmem>>, vector<16xf32>,
      %swap3A_121 = arith.constant 96 : index
      %swap3A_122 = tpu.vector_load %arg8[%swap3A_121] {strides = array<i32>} : memref<128xf32, #tpu.memory_space<vmem>>, vector<16xf32>,
      %swap3A_123 = vector.shape_cast %swap3A_122 : vector<16xf32> to vector<16xf32>
      %swap3A_124 = vector.shape_cast %broadcast_in_dim3A_97 : vector<16xf32> to vector<16xf32>
      tpu.vector_store %arg8[%swap3A_121], %swap3A_124 {strides = array<i32>} : memref<128xf32, #tpu.memory_space<vmem>>, vector<16xf32>,
      %swap3A_125 = arith.constant 112 : index
      %swap3A_126 = tpu.vector_load %arg8[%swap3A_125] {strides = array<i32>} : memref<128xf32, #tpu.memory_space<vmem>>, vector<16xf32>,
      %swap3A_127 = vector.shape_cast %swap3A_126 : vector<16xf32> to vector<16xf32>
      %swap3A_128 = vector.shape_cast %broadcast_in_dim3A_97 : vector<16xf32> to vector<16xf32>
      tpu.vector_store %arg8[%swap3A_125], %swap3A_128 {strides = array<i32>} : memref<128xf32, #tpu.memory_space<vmem>>, vector<16xf32>,
      "tpu.region"() ({
        %run_scoped3A = tpu.sem_alloc : memref<!tpu.dma_semaphore, #tpu.memory_space<semaphore_mem>>
        tpu.enqueue_dma source(%arg8 : memref<128xf32, #tpu.memory_space<vmem>>) target(%arg5 : memref<128xf32, #tpu.memory_space<hbm>>) target_semaphore(%run_scoped3A : memref<!tpu.dma_semaphore, #tpu.memory_space<semaphore_mem>>)
        tpu.wait_dma2 semaphore(%run_scoped3A : memref<!tpu.dma_semaphore, #tpu.memory_space<semaphore_mem>>) src(%arg8 : memref<128xf32, #tpu.memory_space<vmem>>) dst(%arg5 : memref<128xf32, #tpu.memory_space<hbm>>)
        tpu.yield
      }) : () -> ()
    } else {
    }
    "tpu.region"() ({
      %run_scoped3A = tpu.sem_alloc : memref<!tpu.dma_semaphore, #tpu.memory_space<semaphore_mem>>
      %dma_start3A_97 = arith.constant 0 : i32
      %dma_start3A_98 = arith.constant 0 : i32
      %dma_start3A_99 = arith.constant 0 : i32
      %dma_start3A_100 = tpu.memref_slice %arg4[%add3A, %dma_start3A_97, %dma_start3A_98, %dma_start3A_99] : memref<32x4x128x128xf32, #tpu.memory_space<hbm>> -> memref<1x4x128x128xf32, #tpu.memory_space<hbm>>
      %dma_start3A_101 = tpu.memref_squeeze %dma_start3A_100 : memref<1x4x128x128xf32, #tpu.memory_space<hbm>> -> memref<4x128x128xf32, #tpu.memory_space<hbm>>
      %dma_start3A_102 = arith.constant 0 : i32
      %dma_start3A_103 = arith.constant 0 : i32
      %dma_start3A_104 = arith.constant 0 : i32
      %dma_start3A_105 = tpu.memref_slice %arg4[%add3A, %dma_start3A_102, %dma_start3A_103, %dma_start3A_104] : memref<32x4x128x128xf32, #tpu.memory_space<hbm>> -> memref<1x4x128x128xf32, #tpu.memory_space<hbm>>
      %dma_start3A_106 = tpu.memref_squeeze %dma_start3A_105 : memref<1x4x128x128xf32, #tpu.memory_space<hbm>> -> memref<4x128x128xf32, #tpu.memory_space<hbm>>
      tpu.enqueue_dma source(%arg7 : memref<4x128x128xf32, #tpu.memory_space<vmem>>) target(%dma_start3A_106 : memref<4x128x128xf32, #tpu.memory_space<hbm>>) target_semaphore(%run_scoped3A : memref<!tpu.dma_semaphore, #tpu.memory_space<semaphore_mem>>)
      %dma_wait3A_107 = arith.constant 0 : i32
      %dma_wait3A_108 = arith.constant 0 : i32
      %dma_wait3A_109 = arith.constant 0 : i32
      %dma_wait3A_110 = tpu.memref_slice %arg4[%add3A, %dma_wait3A_107, %dma_wait3A_108, %dma_wait3A_109] : memref<32x4x128x128xf32, #tpu.memory_space<hbm>> -> memref<1x4x128x128xf32, #tpu.memory_space<hbm>>
      %dma_wait3A_111 = tpu.memref_squeeze %dma_wait3A_110 : memref<1x4x128x128xf32, #tpu.memory_space<hbm>> -> memref<4x128x128xf32, #tpu.memory_space<hbm>>
      %dma_wait3A_112 = arith.constant 0 : i32
      %dma_wait3A_113 = arith.constant 0 : i32
      %dma_wait3A_114 = arith.constant 0 : i32
      %dma_wait3A_115 = tpu.memref_slice %arg4[%add3A, %dma_wait3A_112, %dma_wait3A_113, %dma_wait3A_114] : memref<32x4x128x128xf32, #tpu.memory_space<hbm>> -> memref<1x4x128x128xf32, #tpu.memory_space<hbm>>
      %dma_wait3A_116 = tpu.memref_squeeze %dma_wait3A_115 : memref<1x4x128x128xf32, #tpu.memory_space<hbm>> -> memref<4x128x128xf32, #tpu.memory_space<hbm>>
      tpu.wait_dma2 semaphore(%run_scoped3A : memref<!tpu.dma_semaphore, #tpu.memory_space<semaphore_mem>>) src(%arg7 : memref<4x128x128xf32, #tpu.memory_space<vmem>>) dst(%dma_wait3A_116 : memref<4x128x128xf32, #tpu.memory_space<hbm>>)
      tpu.yield
    }) : () -> ()
    return
  }
}

</mosaic_0001>

<sc_bundles>
// kernel: kernel.3.cloned.1.call-start
scs
__scs_entry_jumppad:
0x0: {  	(pc) =	sbr.rel $0x88, $3  }
0x1: {  	(tag) =	ssettag $0x0;
	lr =	simm.s32 $0x1  }
0x2: {  	[smem:$0x3F9F] =	sst lr;
	_ =	strace $0xD0000000  }
0x3: {  	_ = 	snop  }
0x4: {  	_ = 	snop  }
0x5: {  	_ = 	snop  }
0x6: {  	_ = 	snop  }
0x7: {  	_ = 	snop  }
__scs_overlays_trampoline_lowered:
0x8: {  	[smem:$0x3FAE] =	sst s0  }
0x9: {  	[smem:$0x3FAF] =	sst s1  }
0xa: {  	[smem:$0x3FB0] =	sst s2  }
0xb: {  	[smem:$0x3FB1] =	sst s3  }
0xc: {  	[smem:$0x3FB2] =	sst s4  }
0xd: {  	[smem:$0x3FB3] =	sst s5  }
0xe: {  	[smem:$0x3FB4] =	sst s6  }
0xf: {  	[smem:$0x3FB5] =	sst s7  }
0x10: {  	[smem:$0x3FB6] =	sst s8  }
0x11: {  	[smem:$0x3FB7] =	sst s9;
	s0 =	simm.s32 @!p0 $0x0  }
0x12: {  	s1 =	sld [smem:$0x3F9D];
	s0 =	simm.s32 @p0 $0x1  }
0x13: {  	[smem:$0x3FB8] =	sst s0;
	s0 =	simm.s32 @!p1 $0x0  }
0x14: {  	s2 =	sld [smem:$0x3F9C];
	s0 =	simm.s32 @p1 $0x1  }
0x15: {  	[smem:$0x3FB9] =	sst s0;
	s0 =	simm.s32 @!p2 $0x0  }
0x16: {  	s3 =	sld [smem:$0x3FDB];
	s0 =	simm.s32 @p2 $0x1  }
0x17: {  	s4 =	simm.s32 $0x1BF5;
	[smem:$0x3FBB] =	sst s0  }
0x18: {  	s0 =	sld [smem:$0x3F9E];
	_ =	swait.ge [sflag:s4], $0x0  }
0x19: {  	s7 =	sld [smem:$0x3F9F]  }
0x1a: {  	s8 =	sadd.s32 $0xFFFFE003, lr  }
0x1b: {  	s9 =	sadd.s32 $0xFFFFFEF7, lr;
	s5 =	simm.s32 $0xFFFFFFFF;
	p2 =	slt.u32 s8, $0xFFFFF086  }
0x1c: {  	p1 =	slt.u32 s9, $0xF7A;
	s5 =	simm.s32 @!p2 $0x0  }
0x1d: {  	s5 =	simm.s32 @p1 $0x1;
	p0 =	seq.s32 s7, s2  }
0x1e: {  	s7 =	smul.u32 @!p0 $0xF7A, s2;
	p2 =	seq.s32 @!p0 s5, $0x0  }
0x1f: {  	s9 =	smul.u32 $0xF7A, s1;
	s8 =	simm.s32 @!p0 $0x1BF5;
	p2 =	por !p2, p0  }
0x20: {  	[sflag:s8] =	ssyncset.s32 @!p0 $0xFFFFF086;
	s6 =	sadd.s32 @!p0 s3, s7;
	s7 =	simm.s32 @!p0 $0x108  }
0x21: {  	s3 =	sadd.s32 s3, s9;
	s6 =	sadd.s32 @!p0 $0x88, s6;
	s7 =	simm.s32 @p2 $0x1082  }
0x22: {  	[simem:s7], [sflag:s8] =	dma.local @!p0 [hbm:s6], $0xF7A  }
0x23: {  	s9 =	sor.u32 $0xD0000000, s2;
	s6 =	simm.s32 $0x108;
	_ =	swait.ge @!p0 [sflag:s8], $0x0  }
0x24: {  	s3 =	sadd.s32 $0x88, s3;
	s6 =	simm.s32 @!p1 $0x1082;
	[sflag:s4] =	ssyncset.s32 $0xFFFFF086  }
0x25: {  	[simem:s6], [sflag:s4] =	dma.local [hbm:s3], $0xF7A  }
0x26: {  	[smem:$0x3F9F] =	sst s1;
	(tag) =	ssettag s2;
	_ =	strace s9  }
0x27: {  	s1 =	sld [smem:$0x3FAF]  }
0x28: {  	s2 =	sld [smem:$0x3FB0]  }
0x29: {  	s4 =	sld [smem:$0x3FB2]  }
0x2a: {  	p0 =	seq.s32 s5, $0x0;
	s5 =	sld [smem:$0x3FB3]  }
0x2b: {  	s6 =	sld [smem:$0x3FB4]  }
0x2c: {  	s7 =	sld [smem:$0x3FB5]  }
0x2d: {  	s3 =	simm.s32 $0x108;
	s8 =	sld [smem:$0x3FB6]  }
0x2e: {  	s3 =	simm.s32 @!p0 $0x1082;
	s9 =	sld [smem:$0x3FB7]  }
0x2f: {  	lr =	sadd.s32 s0, s3;
	s0 =	sld [smem:$0x3FAE]  }
0x30: {  	s3 =	sld [smem:$0x3FB1]  }
0x31: {  	[smem:$0x3FBA] =	sst s10  }
0x32: {  	s10 =	sld [smem:$0x3FB8];
	_ =	sdelay $0x3  }
0x33: {  	p0 =	seq.s32 s10, $0x1;
	s10 =	sld [smem:$0x3FBA];
	_ =	sdelay $0x3  }
0x34: {  	[smem:$0x3FBA] =	sst s10  }
0x35: {  	s10 =	sld [smem:$0x3FB9];
	_ =	sdelay $0x3  }
0x36: {  	p1 =	seq.s32 s10, $0x1;
	s10 =	sld [smem:$0x3FBA];
	_ =	sdelay $0x3  }
0x37: {  	[smem:$0x3FBA] =	sst s10  }
0x38: {  	s10 =	sld [smem:$0x3FBB]  }
0x39: {  	_ = 	snop;
	(pc) =	sbr.ind lr, $3  }
0x3a: {  	_ = 	snop  }
0x3b: {  	_ = 	snop  }
0x3c: {  	p2 =	seq.s32 s10, $0x1;
	s10 =	sld [smem:$0x3FBA]  }
0x3d: {  	_ =	shalt  }
0x3e: {  	_ =	shalt  }
0x3f: {  	_ =	shalt  }
0x40: {  	_ =	shalt  }
0x41: {  	_ =	shalt  }
0x42: {  	_ =	shalt  }
0x43: {  	_ =	shalt  }
0x44: {  	_ =	shalt  }
0x45: {  	_ =	shalt  }
0x46: {  	_ =	shalt  }
0x47: {  	_ =	shalt  }
0x48: {  	_ =	shalt  }
0x49: {  	_ =	shalt  }
0x4a: {  	_ =	shalt  }
0x4b: {  	_ =	shalt  }
0x4c: {  	_ =	shalt  }
0x4d: {  	_ =	shalt  }
0x4e: {  	_ =	shalt  }
0x4f: {  	_ =	shalt  }
0x50: {  	_ =	shalt  }
0x51: {  	_ =	shalt  }
0x52: {  	_ =	shalt  }
0x53: {  	_ =	shalt  }
0x54: {  	_ =	shalt  }
0x55: {  	_ =	shalt  }
0x56: {  	_ =	shalt  }
0x57: {  	_ =	shalt  }
0x58: {  	_ =	shalt  }
0x59: {  	_ =	shalt  }
0x5a: {  	_ =	shalt  }
0x5b: {  	_ =	shalt  }
0x5c: {  	_ =	shalt  }
0x5d: {  	_ =	shalt  }
0x5e: {  	_ =	shalt  }
0x5f: {  	_ =	shalt  }
0x60: {  	_ =	shalt  }
0x61: {  	_ =	shalt  }
0x62: {  	_ =	shalt  }
0x63: {  	_ =	shalt  }
0x64: {  	_ =	shalt  }
0x65: {  	_ =	shalt  }
0x66: {  	_ =	shalt  }
0x67: {  	_ =	shalt  }
0x68: {  	_ =	shalt  }
0x69: {  	_ =	shalt  }
0x6a: {  	_ =	shalt  }
0x6b: {  	_ =	shalt  }
0x6c: {  	_ =	shalt  }
0x6d: {  	_ =	shalt  }
0x6e: {  	_ =	shalt  }
0x6f: {  	_ =	shalt  }
0x70: {  	_ =	shalt  }
0x71: {  	_ =	shalt  }
0x72: {  	_ =	shalt  }
0x73: {  	_ =	shalt  }
0x74: {  	_ =	shalt  }
0x75: {  	_ =	shalt  }
0x76: {  	_ =	shalt  }
0x77: {  	_ =	shalt  }
0x78: {  	_ =	shalt  }
0x79: {  	_ =	shalt  }
0x7a: {  	_ =	shalt  }
0x7b: {  	_ =	shalt  }
0x7c: {  	_ =	shalt  }
0x7d: {  	_ =	shalt  }
0x7e: {  	_ =	shalt  }
0x7f: {  	_ =	shalt  }
0x80: {  	_ =	shalt  }
0x81: {  	_ =	shalt  }
0x82: {  	_ =	shalt  }
0x83: {  	_ =	shalt  }
0x84: {  	_ =	shalt  }
0x85: {  	_ =	shalt  }
0x86: {  	_ =	shalt  }
0x87: {  	_ =	shalt  }
.Lfunc_end0:
.L_simem_size_0:
called_computation_lowered:
.L_overlay_start_0:
0x88: {  	s2 =	sld [smem:$0x3FD9]  }
0x89: {  	s3 =	sld [smem:$0x3FFE];
	_ =	sdelay $0x1  }
0x8a: {  	s1 =	srdreg.scid  }
0x8b: {  	s0 =	sand.u32 $0x1, s1  }
0x8c: {  	s15 =	sshll.u32 s0, $0xA;
	s2 =	sadd.s32 s3, s2  }
0x8d: {  	s2 =	sadd.s32 s2, s15  }
0x8e: {  	[smem:$0x3FC6] =	sst s2  }
0x8f: {  	_ = 	snop  }
0x90: {  	s2 =	sld [smem:$0x3FD0];
	_ =	sdelay $0x1  }
0x91: {  	s16 =	sld [smem:$0x3FC9]  }
0x92: {  	s5 =	simm.s32 $0xA;
	s6 =	simm.s32 $0x10;
	s4 =	sld [smem:$0x3FC8]  }
0x93: {  	[smem:s6], [sflag:s5] =	dma.local [hbm:s2], $0x1  }
0x94: {  	_ =	swait.eq [sflag:s5], $0x1  }
0x95: {  	[sflag:s5] =	ssyncset.done $0x0  }
0x96: {  	s17 =	sld [smem:$0x10];
	[sflag:s5] =	ssyncadd.s32 $0xFFFFFFFF  }
0x97: {  	s18 =	sld [smem:$0x11];
	(tm) =	ssettm $0x1  }
0x98: {  	s19 =	sld [smem:$0x3FFB];
	_ =	sdelay $0x3  }
0x99: {  	_ =	strace s19  }
0x9a: {  	s6 =	sld [smem:$0x3FFC];
	_ =	sdelay $0x3  }
0x9b: {  	_ =	strace s6  }
0x9c: {  	s6 =	sld [smem:$0x3FFD];
	_ =	sdelay $0x3  }
0x9d: {  	_ =	strace s6  }
0x9e: {  	_ =	strace $0x8FFFFFFF  }
0x9f: {  	s20 =	sld [smem:$0x3FDB];
	_ =	sdelay $0x1  }
0xa0: {  	s7 =	simm.s32 $_scs_section_size  }
0xa1: {  	s8 =	simm.s32 $_size__tile_overlayer_lowered;
	s9 =	simm.s32 $_tile_overlayer_lowered  }
0xa2: {  	s23 =	simm.s32 $0x1BFF;
	s22 =	sshll.u32 s9, $0x1;
	s6 =	sadd.s32 s7, s20  }
0xa3: {  	s10 =	simm.s32 $0x0;
	s21 =	sshll.u32 s8, $0x1;
	s8 =	sadd.s32 s22, s6  }
0xa4: {  	[timem:s10], [sflag:s23] =	dma.local [hbm:s8], s21  }
0xa5: {  	_ =	swait.ge [sflag:s23], s21  }
0xa6: {  	s7 =	ssub.s32 $0x0, s21;
	[sflag:s23] =	ssyncset.done $0x0  }
0xa7: {  	[sflag:s23] =	ssyncadd.s32 s7;
	_ =	sdelay $0x1  }
0xa8: {  	s24 =	simm.s32 $0x1B8B  }
0xa9: {  	_ =	swait.ge [sflag:s24], $0x1  }
0xaa: {  	[sflag:s24] =	ssyncset.done $0x0  }
0xab: {  	s25 =	simm.s32 $0x1B8E;
	[sflag:s24] =	ssyncadd.s32 $0xFFFFFFFF  }
0xac: {  	s26 =	simm.s32 $execute0_lowered;
	[smem:$0x3FD2] =	sst s25  }
0xad: {  	s7 =	sshll.u32 s26, $0x1;
	_ =	strace $0x80000046;
	[dreg:$0x1] =	wrdreg $0xFFFFFFFF  }
0xae: {  	s28 =	simm.s32 $_size_execute0_lowered;
	s6 =	sadd.s32 s6, s7;
	[dreg:$0x0] =	wrdreg $0x0  }
0xaf: {  	s7 =	sshll.u32 s28, $0x1;
	[dreg:$0x2] =	wrdreg s6  }
0xb0: {  	[dreg:$0x3] =	wrdreg s7  }
0xb1: {  	[dreg:$0x4] =	wrdreg $0xC0  }
0xb2: {  	_ =	task [dreg:s10], $0x5FFFF  }
0xb3: {  	[dreg:$0x1] =	wrdreg $0xFFFFFFFF  }
0xb4: {  	[dreg:$0x0] =	wrdreg $0x60  }
0xb5: {  	[dreg:$0x2] =	wrdreg s16  }
0xb6: {  	[dreg:$0x3] =	wrdreg s4  }
0xb7: {  	[dreg:$0x4] =	wrdreg s17  }
0xb8: {  	[dreg:$0x5] =	wrdreg s18  }
0xb9: {  	[dreg:$0x6] =	wrdreg $0x9  }
0xba: {  	_ =	task.clear_ibuf [dreg:s10], $0x7FFFF;
	_ =	strace $0x90000046  }
0xbb: {  	s29 =	simm.s32 $0x9;
	_ =	strace $0x80000048  }
0xbc: {  	_ =	swait.ge [sflag:s29], $0x1  }
0xbd: {  	[sflag:s29] =	ssyncadd.s32 $0xFFFFFFFF  }
0xbe: {  	_ =	strace $0x90000048  }
0xbf: {  	_ =	sfence  }
0xc0: {  	s30 =	sld [smem:$0x0];
	_ =	sdelay $0x2  }
0xc1: {  	s31 =	sshll.u32 s1, $0xD;
	s1 =	sshrl.u32 s1, $0x2  }
0xc2: {  	s3 =	sand.u32 $0x4000, s31;
	s1 =	sadd.s32 s1, s30  }
0xc3: {  	s0 =	sor.u32 s3, s0;
	s1 =	sshll.u32 s1, $0x11  }
0xc4: {  	s0 =	sor.u32 s1, s0  }
0xc5: {  	s0 =	sadd.s32 $0x8F2B, s0  }
0xc6: {  	[sflag:s0] =	ssyncadd.remote.s32 $0x1  }
0xc7: {  	_ =	sfence.sel $0xFFFF  }
0xc8: {  	[dreg:$0x0] =	wrdreg $0xFFFFFFFF;
	(pc) =	sbr.abs _section_cstart, $3  }
0xc9: {  	[dreg:$0x1] =	wrdreg $0xFFFFFFFF  }
0xca: {  	_ =	task.clear_ibuf [dreg:s10], $0x2FFFF;
	_ =	strace $0x9FFFFFFF  }
0xcb: {  	(tm) =	ssettm $0x7FFFFFFF  }
tec
execute0_lowered:
.L_overlay_start_1:
0x0: {  	(tag) =	ssettag $0x1  }
0x1: {  	s5 =	rddreg [dreg:$0x0]  }
0x2: {  	s4 =	rddreg [dreg:$0x1]  }
0x3: {  	s15 =	rddreg [dreg:$0x2]  }
0x4: {  	s1 =	srdreg.scid;
	s0 =	stileid.u32  }
0x5: {  	s2 =	rddreg [dreg:$0x3];
	s16 =	sand.u32 $0x1, s1;
	s6 =	sshll.u32 s0, $0x1  }
0x6: {  	s3 =	simm.s32 $0x0;
	s1 =	rddreg [dreg:$0x4];
	s17 =	sor.u32 s16, s6  }
0x7: {  	[smem:$0x7FF] =	sst s3;
	s6 =	sshll.u32 s17, $0x6  }
0x8: {  	_ =	strace $0x80000047;
	s7 =	sadd.s32 s5, s6;
	s5 =	simm.s32 $0x2  }
0x9: {  	[tilespmem:s3], [sflag:$0x2] =	stream.linear.gather [hbm4b:s7+s3], $0x200, $0x38;
	[tilespmem:$0x10280] =	vst v63  }
0xa: {  	_ =	swait.ge [sflag:s5], $0x200  }
0xb: {  	[sflag:s5] =	ssyncset.done $0x0  }
0xc: {  	s8 =	simm.s32 $0x80;
	s6 =	simm.s32 $0x200;
	[sflag:s5] =	ssyncadd.s32 $0xFFFFFE00  }
0xd: {  	[tilespmem:s6], [sflag:$0x1] =	stream.indirect.gather [hbm4b:s4+s8], $0x80, s3, s8, $0xb8;
	[tilespmem:$0x10280] =	vst v63  }
0xe: {  	s9 =	simm.s32 $0x4200  }
0xf: {  	[tilespmem:s9], [sflag:$0x1] =	stream.indirect.gather [hbm4b:s4+s8], $0x80, s8, s8, $0xb8;
	[tilespmem:$0x10280] =	vst v63  }
0x10: {  	s10 =	simm.s32 $0x100;
	s11 =	simm.s32 $0x8200  }
0x11: {  	[tilespmem:s11], [sflag:$0x1] =	stream.indirect.gather [hbm4b:s4+s8], $0x80, s10, s8, $0xb8;
	[tilespmem:$0x10280] =	vst v63  }
0x12: {  	s12 =	simm.s32 $0x180;
	s13 =	simm.s32 $0xC200;
	s14 =	simm.s32 $0x1  }
0x13: {  	[tilespmem:s13], [sflag:$0x1] =	stream.indirect.gather [hbm4b:s4+s8], $0x80, s12, s8, $0xb8;
	[tilespmem:$0x10280] =	vst v63  }
0x14: {  	_ =	swait.ge [sflag:s14], $0x4000  }
0x15: {  	[sflag:s14] =	ssyncset.done $0x0  }
0x16: {  	[sflag:s14] =	ssyncadd.s32 $0xFFFFC000  }
0x17: {  	_ =	swait.ge [sflag:s14], $0x4000  }
0x18: {  	[sflag:s14] =	ssyncset.done $0x0  }
0x19: {  	[sflag:s14] =	ssyncadd.s32 $0xFFFFC000  }
0x1a: {  	_ =	swait.ge [sflag:s14], $0x4000  }
0x1b: {  	[sflag:s14] =	ssyncset.done $0x0  }
0x1c: {  	[sflag:s14] =	ssyncadd.s32 $0xFFFFC000  }
0x1d: {  	s16 =	ssub.s32 $0x2, s16;
	_ =	swait.ge [sflag:s14], $0x4000  }
0x1e: {  	p0 =	sne.s32 s17, $0x0;
	s18 =	sshrl.u32 s16, $0x1;
	[sflag:s14] =	ssyncset.done $0x0  }
0x1f: {  	v0 =	vimm.f32 @!p0 $0.0e+00;
	s16 =	ssub.s32 s16, s18;
	[sflag:s14] =	ssyncadd.s32 $0xFFFFC000  }
0x20: {  	s16 =	smax.u32 s16, $0x1;
	[tilespmem:$0x10270] =	vst @!p0 v0  }
0x21: {  	s16 =	sadd.s32 $0xFFFFFFFF, s16;
	[tilespmem:$0x10260] =	vst @!p0 v0  }
0x22: {  	p1 =	sne.s32 s16, $0x0;
	[tilespmem:$0x10250] =	vst @!p0 v0  }
.Ltmp0:
0x23: {  	[tilespmem:$0x10240] =	vst @!p0 v0;
	(pc) =	sbr.rel @!p1 .LBB2_2-.Ltmp0, $4  }
0x24: {  	[tilespmem:$0x10230] =	vst @!p0 v0  }
0x25: {  	s17 =	sshll.u32 s17, $0xD;
	[tilespmem:$0x10220] =	vst @!p0 v0  }
0x26: {  	s15 =	sadd.s32 s15, s17;
	[tilespmem:$0x10200] =	vst @!p0 v0  }
0x27: {  	s17 =	simm.s32 @!p0 $0x0;
	s19 =	simm.s32 @!p0 $0x10200;
	s18 =	simm.s32 @!p0 $0x2;
	[tilespmem:$0x10210] =	vst @!p0 v0  }
.LBB2_1:
0x28: {  	[hbm4b:s2+s17] =	stream.linear.scatter @!p0 [tilespmem:s19], [sflag:$0x2], $0x80, $0x38;
	[tilespmem:$0x10280] =	vst v63  }
0x29: {  	s16 =	sadd.s32 $0xFFFFFFFF, s16;
	_ =	swait.ge @!p0 [sflag:s18], $0x80  }
0x2a: {  	p1 =	sne.s32 s16, $0x0;
	[sflag:s18] =	ssyncset.done @!p0 $0x0  }
0x2b: {  	[sflag:s18] =	ssyncadd.s32 @!p0 $0xFFFFFF80  }
0x2c: {  	[hbm4b:s15+s3] =	stream.linear.scatter [tilespmem:s6], [sflag:$0x2], $0x10000, $0x38;
	[tilespmem:$0x10280] =	vst v63  }
0x2d: {  	_ =	swait.ge [sflag:s5], $0x10000  }
0x2e: {  	[sflag:s5] =	ssyncset.done $0x0  }
0x2f: {  	[sflag:s5] =	ssyncadd.s32 $0xFFFF0000  }
0x30: {  	[tilespmem:s3], [sflag:$0x2] =	stream.linear.gather [hbm4b:s7+s3], $0x200, $0x38;
	[tilespmem:$0x10280] =	vst v63  }
0x31: {  	_ =	swait.ge [sflag:s5], $0x200  }
0x32: {  	[sflag:s5] =	ssyncset.done $0x0  }
0x33: {  	[sflag:s5] =	ssyncadd.s32 $0xFFFFFE00  }
0x34: {  	[tilespmem:s6], [sflag:$0x1] =	stream.indirect.gather [hbm4b:s4+s8], $0x80, s3, s8, $0xb8;
	[tilespmem:$0x10280] =	vst v63  }
0x35: {  	_ = 	snop  }
0x36: {  	[tilespmem:s9], [sflag:$0x1] =	stream.indirect.gather [hbm4b:s4+s8], $0x80, s8, s8, $0xb8;
	[tilespmem:$0x10280] =	vst v63  }
0x37: {  	_ = 	snop  }
0x38: {  	[tilespmem:s11], [sflag:$0x1] =	stream.indirect.gather [hbm4b:s4+s8], $0x80, s10, s8, $0xb8;
	[tilespmem:$0x10280] =	vst v63  }
0x39: {  	_ = 	snop  }
0x3a: {  	[tilespmem:s13], [sflag:$0x1] =	stream.indirect.gather [hbm4b:s4+s8], $0x80, s12, s8, $0xb8;
	[tilespmem:$0x10280] =	vst v63  }
0x3b: {  	_ =	swait.ge [sflag:s14], $0x4000  }
0x3c: {  	[sflag:s14] =	ssyncset.done $0x0  }
0x3d: {  	[sflag:s14] =	ssyncadd.s32 $0xFFFFC000  }
0x3e: {  	_ =	swait.ge [sflag:s14], $0x4000  }
0x3f: {  	[sflag:s14] =	ssyncset.done $0x0  }
0x40: {  	[sflag:s14] =	ssyncadd.s32 $0xFFFFC000  }
0x41: {  	_ =	swait.ge [sflag:s14], $0x4000  }
0x42: {  	[sflag:s14] =	ssyncset.done $0x0  }
0x43: {  	[sflag:s14] =	ssyncadd.s32 $0xFFFFC000  }
0x44: {  	_ =	swait.ge [sflag:s14], $0x4000  }
0x45: {  	[sflag:s14] =	ssyncset.done $0x0  }
0x46: {  	[sflag:s14] =	ssyncadd.s32 $0xFFFFC000  }
0x47: {  	[tilespmem:$0x10270] =	vst @!p0 v0  }
0x48: {  	[tilespmem:$0x10260] =	vst @!p0 v0  }
0x49: {  	[tilespmem:$0x10250] =	vst @!p0 v0  }
.Ltmp1:
0x4a: {  	[tilespmem:$0x10240] =	vst @!p0 v0;
	(pc) =	sbr.rel @p1 .LBB2_1-.Ltmp1, $4  }
0x4b: {  	[tilespmem:$0x10230] =	vst @!p0 v0  }
0x4c: {  	[tilespmem:$0x10220] =	vst @!p0 v0  }
0x4d: {  	[tilespmem:$0x10200] =	vst @!p0 v0  }
0x4e: {  	[tilespmem:$0x10210] =	vst @!p0 v0  }
.LBB2_2:
0x4f: {  	[hbm4b:s2+s17] =	stream.linear.scatter @!p0 [tilespmem:s19], [sflag:$0x2], $0x80, $0x38;
	[tilespmem:$0x10280] =	vst v63  }
0x50: {  	_ =	swait.ge @!p0 [sflag:s18], $0x80  }
0x51: {  	[sflag:s18] =	ssyncset.done @!p0 $0x0  }
0x52: {  	[sflag:s18] =	ssyncadd.s32 @!p0 $0xFFFFFF80  }
0x53: {  	[hbm4b:s15+s3] =	stream.linear.scatter [tilespmem:s6], [sflag:$0x2], $0x10000, $0x38;
	[tilespmem:$0x10280] =	vst v63  }
0x54: {  	_ =	swait.ge [sflag:s5], $0x10000  }
0x55: {  	[sflag:s5] =	ssyncset.done $0x0  }
0x56: {  	[sflag:s5] =	ssyncadd.s32 $0xFFFF0000  }
0x57: {  	_ =	sfence.sel $0x180000  }
0x58: {  	[bflag:$0x0] =	sbarrier.arrive $0xFFFF  }
0x59: {  	p0 =	sne.s32 s0, $0x0;
	_ =	strace $0x90000047  }
0x5a: {  	s0 =	sadd.s32 @!p0 $0x100000, s1;
	[bflag:$0x2] =	sbarrier.arrive $0xFFFF  }
0x5b: {  	[sflag:s0] =	ssyncadd.tile.s32 @!p0 $0x1;
	_ =	shalt  }
.Lfunc_end2:
_tile_overlayer_lowered:
.L_overlay_start_2:
0x5c: {  	(tag) =	ssettag $0x2  }
0x5d: {  	s0 =	rddreg [dreg:$0x0];
	s2 =	stileid.u32  }
0x5e: {  	s1 =	rddreg [dreg:$0x1];
	p0 =	sne.s32 s2, $0x0  }
0x5f: {  	s3 =	rddreg [dreg:$0x2];
	[bflag:$0x3] =	sbarrier.arrive $0xFFFF;
	s2 =	simm.s32 @!p0 $0x1C02  }
0x60: {  	[timem:s3], [sflag:s2] =	dma.local @!p0 [hbm:s0], s1  }
0x61: {  	s0 =	simm.s32 @!p0 $0x2  }
0x62: {  	_ =	swait.ge @!p0 [sflag:s0], s1  }
0x63: {  	s1 =	ssub.s32 @!p0 $0x0, s1;
	[sflag:s0] =	ssyncset.done @!p0 $0x0  }
0x64: {  	[sflag:s0] =	ssyncadd.s32 @!p0 s1  }
0x65: {  	[bflag:$0x3] =	sbarrier.arrive $0xFFFF  }
0x66: {  	_ =	shalt  }

</sc_bundles>
